<compile_context>
chip_gen: v7x
topology: tpu7x:2x2x1
jax: 0.10.2.dev20260603
libtpu: 0.0.44.dev20260713+nightly
codegen_flags: <defaults>
</compile_context>

<pallas_src>
import functools

import jax
import jax.numpy as jnp
from jax import lax
from jax.experimental import pallas as pl
from jax.experimental.pallas import tpu as pltpu
from jax.experimental.pallas import tpu_sc as plsc

_NBUF = 4
_CH = 16


def _sc_geometry():
    try:
        info = plsc.get_sparse_core_info()
        return info.num_cores, info.num_subcores
    except Exception:
        return 2, 16


@functools.lru_cache(maxsize=None)
def _build(vocab: int, d: int, n: int):
    nc, ns = _sc_geometry()
    nw = nc * ns
    n_per_w = n // nw
    ch = _CH
    nch = n_per_w // ch
    assert n_per_w % ch == 0 and nch % _NBUF == 0

    mesh = plsc.VectorSubcoreMesh(core_axis_name="c", subcore_axis_name="s")

    @functools.partial(
        pl.kernel,
        mesh=mesh,
        out_type=jax.ShapeDtypeStruct((n, d), jnp.float32),
        scratch_types=[
            pltpu.VMEM((n_per_w,), jnp.int32),
            *([pltpu.VMEM((ch, d), jnp.float32)] * _NBUF),
            *([pltpu.SemaphoreType.DMA] * _NBUF),
            *([pltpu.SemaphoreType.DMA] * _NBUF),
        ],
    )
    def gather_kernel(table_hbm, idx_hbm, out_hbm, idx_v, *rest):
        bufs = rest[:_NBUF]
        gsems = rest[_NBUF : 2 * _NBUF]
        wsems = rest[2 * _NBUF :]
        wid = lax.axis_index("s") * nc + lax.axis_index("c")
        base = wid * n_per_w
        seq = idx_hbm.shape[1]
        w_per_row = seq // n_per_w

        pltpu.sync_copy(
            idx_hbm.at[wid // w_per_row, pl.ds((wid % w_per_row) * n_per_w, n_per_w)],
            idx_v,
        )

        def gather(c, b):
            pltpu.async_copy(
                table_hbm.at[idx_v.at[pl.ds(c * ch, ch)]], bufs[b], gsems[b]
            )

        def wait_gather(c, b):
            pltpu.make_async_copy(
                table_hbm.at[idx_v.at[pl.ds(c * ch, ch)]], bufs[b], gsems[b]
            ).wait()

        def write(c, b):
            pltpu.async_copy(
                bufs[b], out_hbm.at[pl.ds(base + c * ch, ch)], wsems[b]
            )

        def wait_write(c, b):
            pltpu.make_async_copy(
                bufs[b], out_hbm.at[pl.ds(base + c * ch, ch)], wsems[b]
            ).wait()

        for b in range(_NBUF - 1):
            gather(b, b)

        def step(g, _):
            for b in range(_NBUF):
                c = g * _NBUF + b
                wait_gather(c, b)
                write(c, b)
                nxt = c + _NBUF - 1
                bn = (b + _NBUF - 1) % _NBUF

                @pl.when(nxt < nch)
                def _():
                    @pl.when(c >= 1)
                    def _():
                        wait_write(c - 1, bn)

                    gather(nxt, bn)

            return ()

        lax.fori_loop(0, nch // _NBUF, step, (), unroll=False)

        for k in range(nch - _NBUF, nch):
            wait_write(k, k % _NBUF)

    return gather_kernel


def kernel(input_ids, embed_tokens):
    vocab, d = embed_tokens.shape
    n = input_ids.shape[0] * input_ids.shape[1]
    out = _build(vocab, d, n)(embed_tokens, input_ids.astype(jnp.int32))
    return out.reshape(*input_ids.shape, d)

# --- scband reference (transcript-rebuilt; emitter-appended) ---
"""Pipeline reference for scband-qwen3-embedding-module-44152263803382 (READ-ONLY COPY).

The authoritative reference and input builder live on the scoring server;
editing this copy changes nothing except your own understanding.
"""

import jax, jax.numpy as jnp
import numpy as np

VOCAB = 151936
D_MODEL = 1024
BATCH = 4
SEQ = 8192

def setup_inputs(seed: int = 0) -> dict:
    key = jax.random.key(seed)
    k1, k2 = jax.random.split(key)
    input_ids = jax.random.randint(k1, (BATCH, SEQ), 0, VOCAB, dtype=jnp.int64 if jax.config.jax_enable_x64 else jnp.int32)
    embed_tokens = jax.random.normal(k2, (VOCAB, D_MODEL), dtype=jnp.float32) * 0.02
    return {"input_ids": input_ids, "embed_tokens": embed_tokens}

def reference(input_ids, embed_tokens):
    # nn.Embedding lookup: table[idx]
    return jnp.take(embed_tokens, input_ids, axis=0)

if __name__ == "__main__":
    import jax
    _d = setup_inputs()
    print(jax.jit(kernel)(*tuple(_d.values())))

</pallas_src>

<mosaic_0001>
#map = affine_map<(d0, d1) -> (0, 0)>
module attributes {stable_mosaic.version = 14 : i64} {
  func.func @gather_kernel(%arg0: i32, %arg1: i32, %arg2: memref<151936x1024xf32, #tpu.memory_space<hbm>>, %arg3: memref<4x8192xi32, #tpu.memory_space<hbm>>, %arg4: memref<32768x1024xf32, #tpu.memory_space<hbm>>, %arg5: memref<1024xi32, #tpu.memory_space<vmem>>, %arg6: memref<16x1024xf32, #tpu.memory_space<vmem>>, %arg7: memref<16x1024xf32, #tpu.memory_space<vmem>>, %arg8: memref<16x1024xf32, #tpu.memory_space<vmem>>, %arg9: memref<16x1024xf32, #tpu.memory_space<vmem>>, %arg10: memref<!tpu.dma_semaphore, #tpu.memory_space<semaphore_mem>>, %arg11: memref<!tpu.dma_semaphore, #tpu.memory_space<semaphore_mem>>, %arg12: memref<!tpu.dma_semaphore, #tpu.memory_space<semaphore_mem>>, %arg13: memref<!tpu.dma_semaphore, #tpu.memory_space<semaphore_mem>>, %arg14: memref<!tpu.dma_semaphore, #tpu.memory_space<semaphore_mem>>, %arg15: memref<!tpu.dma_semaphore, #tpu.memory_space<semaphore_mem>>, %arg16: memref<!tpu.dma_semaphore, #tpu.memory_space<semaphore_mem>>, %arg17: memref<!tpu.dma_semaphore, #tpu.memory_space<semaphore_mem>>) attributes {dimension_semantics = [#tpu.dimension_semantics<core_parallel>, #tpu.dimension_semantics<subcore_parallel>], iteration_bounds = array<i64: 2, 16>, scalar_prefetch = 0 : i64, scratch_operands = 13 : i64, tpu.core_type = #tpu.core_type<sc_vector_subcore>, window_params = [{transform_indices = #map}, {transform_indices = #map}, {transform_indices = #map}]} {
    %mul3A = arith.constant 2 : i32
    %mul3A_0 = arith.muli %arg1, %mul3A : i32
    %add3A = arith.addi %mul3A_0, %arg0 : i32
    %mul3A_1 = arith.constant 1024 : i32
    %mul3A_2 = arith.muli %add3A, %mul3A_1 : i32
    %jit3A = arith.constant 8 : i32
    %div3A = arith.divsi %add3A, %jit3A : i32
    %sign3A = arith.constant 0 : i32
    %sign3A_3 = arith.cmpi sgt, %add3A, %sign3A : i32
    %sign3A_4 = arith.extui %sign3A_3 : i1 to i32
    %sign3A_5 = arith.constant 0 : i32
    %sign3A_6 = arith.cmpi slt, %add3A, %sign3A_5 : i32
    %sign3A_7 = arith.extui %sign3A_6 : i1 to i32
    %sign3A_8 = arith.subi %sign3A_4, %sign3A_7 : i32
    %sign3A_9 = arith.constant 0 : i32
    %sign3A_10 = arith.cmpi sgt, %jit3A, %sign3A_9 : i32
    %sign3A_11 = arith.extui %sign3A_10 : i1 to i32
    %sign3A_12 = arith.constant 0 : i32
    %sign3A_13 = arith.cmpi slt, %jit3A, %sign3A_12 : i32
    %sign3A_14 = arith.extui %sign3A_13 : i1 to i32
    %sign3A_15 = arith.subi %sign3A_11, %sign3A_14 : i32
    %ne3A = arith.cmpi ne, %sign3A_8, %sign3A_15 : i32
    %rem3A = arith.remsi %add3A, %jit3A : i32
    %ne3A_16 = arith.constant 0 : i32
    %ne3A_17 = arith.cmpi ne, %rem3A, %ne3A_16 : i32
    %and3A = arith.andi %ne3A, %ne3A_17 : i1
    %sub3A = arith.constant 1 : i32
    %sub3A_18 = arith.subi %div3A, %sub3A : i32
    %select_n3A = arith.select %and3A, %sub3A_18, %div3A : i32
    %jit3A_19 = arith.constant 8 : i32
    %eq3A = arith.constant 0 : i32
    %eq3A_20 = arith.cmpi eq, %jit3A_19, %eq3A : i32
    %jit3A_21 = arith.constant 1 : i32
    %select_n3A_22 = arith.select %eq3A_20, %jit3A_21, %jit3A_19 : i32
    %rem3A_23 = arith.remsi %add3A, %select_n3A_22 : i32
    %ne3A_24 = arith.constant 0 : i32
    %ne3A_25 = arith.cmpi ne, %rem3A_23, %ne3A_24 : i32
    %lt3A = arith.constant 0 : i32
    %lt3A_26 = arith.cmpi slt, %rem3A_23, %lt3A : i32
    %lt3A_27 = arith.constant 0 : i32
    %lt3A_28 = arith.cmpi slt, %select_n3A_22, %lt3A_27 : i32
    %ne3A_29 = arith.xori %lt3A_26, %lt3A_28 : i1
    %and3A_30 = arith.andi %ne3A_29, %ne3A_25 : i1
    %add3A_31 = arith.addi %rem3A_23, %select_n3A_22 : i32
    %select_n3A_32 = arith.select %and3A_30, %add3A_31, %rem3A_23 : i32
    %mul3A_33 = arith.constant 1024 : i32
    %mul3A_34 = arith.muli %select_n3A_32, %mul3A_33 : i32
    "tpu.region"() ({
      %run_scoped3A = tpu.sem_alloc : memref<!tpu.dma_semaphore, #tpu.memory_space<semaphore_mem>>
      %dma_start3A_76 = tpu.memref_slice %arg3[%select_n3A, %mul3A_34] : memref<4x8192xi32, #tpu.memory_space<hbm>> -> memref<1x1024xi32, #tpu.memory_space<hbm>>
      %dma_start3A_77 = tpu.memref_squeeze %dma_start3A_76 : memref<1x1024xi32, #tpu.memory_space<hbm>> -> memref<1024xi32, #tpu.memory_space<hbm>>
      %dma_start3A_78 = tpu.memref_slice %arg3[%select_n3A, %mul3A_34] : memref<4x8192xi32, #tpu.memory_space<hbm>> -> memref<1x1024xi32, #tpu.memory_space<hbm>>
      %dma_start3A_79 = tpu.memref_squeeze %dma_start3A_78 : memref<1x1024xi32, #tpu.memory_space<hbm>> -> memref<1024xi32, #tpu.memory_space<hbm>>
      tpu.enqueue_dma source(%dma_start3A_79 : memref<1024xi32, #tpu.memory_space<hbm>>) target(%arg5 : memref<1024xi32, #tpu.memory_space<vmem>>) target_semaphore(%run_scoped3A : memref<!tpu.dma_semaphore, #tpu.memory_space<semaphore_mem>>)
      %dma_wait3A_80 = tpu.memref_slice %arg3[%select_n3A, %mul3A_34] : memref<4x8192xi32, #tpu.memory_space<hbm>> -> memref<1x1024xi32, #tpu.memory_space<hbm>>
      %dma_wait3A_81 = tpu.memref_squeeze %dma_wait3A_80 : memref<1x1024xi32, #tpu.memory_space<hbm>> -> memref<1024xi32, #tpu.memory_space<hbm>>
      %dma_wait3A_82 = tpu.memref_slice %arg3[%select_n3A, %mul3A_34] : memref<4x8192xi32, #tpu.memory_space<hbm>> -> memref<1x1024xi32, #tpu.memory_space<hbm>>
      %dma_wait3A_83 = tpu.memref_squeeze %dma_wait3A_82 : memref<1x1024xi32, #tpu.memory_space<hbm>> -> memref<1024xi32, #tpu.memory_space<hbm>>
      tpu.wait_dma2 semaphore(%run_scoped3A : memref<!tpu.dma_semaphore, #tpu.memory_space<semaphore_mem>>) src(%dma_wait3A_83 : memref<1024xi32, #tpu.memory_space<hbm>>) dst(%arg5 : memref<1024xi32, #tpu.memory_space<vmem>>)
      tpu.yield
    }) : () -> ()
    %dma_start3A = arith.constant 0 : i32
    %dma_start3A_35 = tpu.memref_slice %arg5[%dma_start3A] : memref<1024xi32, #tpu.memory_space<vmem>> -> memref<16xi32, #tpu.memory_space<vmem>>
    %dma_start3A_36 = arith.constant 0 : i32
    %dma_start3A_37 = arith.constant 0 : i32
    %dma_start3A_38 = tpu.memref_slice %arg2[%dma_start3A_36, %dma_start3A_37] : memref<151936x1024xf32, #tpu.memory_space<hbm>> -> memref<151936x1024xf32, #tpu.memory_space<hbm>>
    tpu.enqueue_indirect_dma source(%dma_start3A_38 : memref<151936x1024xf32, #tpu.memory_space<hbm>>) target(%arg6 : memref<16x1024xf32, #tpu.memory_space<vmem>>) offsets(%dma_start3A_35 : memref<16xi32, #tpu.memory_space<vmem>>) semaphore(%arg10 : memref<!tpu.dma_semaphore, #tpu.memory_space<semaphore_mem>>)
    %dma_start3A_39 = arith.constant 16 : i32
    %dma_start3A_40 = tpu.memref_slice %arg5[%dma_start3A_39] : memref<1024xi32, #tpu.memory_space<vmem>> -> memref<16xi32, #tpu.memory_space<vmem>>
    %dma_start3A_41 = arith.constant 0 : i32
    %dma_start3A_42 = arith.constant 0 : i32
    %dma_start3A_43 = tpu.memref_slice %arg2[%dma_start3A_41, %dma_start3A_42] : memref<151936x1024xf32, #tpu.memory_space<hbm>> -> memref<151936x1024xf32, #tpu.memory_space<hbm>>
    tpu.enqueue_indirect_dma source(%dma_start3A_43 : memref<151936x1024xf32, #tpu.memory_space<hbm>>) target(%arg7 : memref<16x1024xf32, #tpu.memory_space<vmem>>) offsets(%dma_start3A_40 : memref<16xi32, #tpu.memory_space<vmem>>) semaphore(%arg11 : memref<!tpu.dma_semaphore, #tpu.memory_space<semaphore_mem>>)
    %dma_start3A_44 = arith.constant 32 : i32
    %dma_start3A_45 = tpu.memref_slice %arg5[%dma_start3A_44] : memref<1024xi32, #tpu.memory_space<vmem>> -> memref<16xi32, #tpu.memory_space<vmem>>
    %dma_start3A_46 = arith.constant 0 : i32
    %dma_start3A_47 = arith.constant 0 : i32
    %dma_start3A_48 = tpu.memref_slice %arg2[%dma_start3A_46, %dma_start3A_47] : memref<151936x1024xf32, #tpu.memory_space<hbm>> -> memref<151936x1024xf32, #tpu.memory_space<hbm>>
    tpu.enqueue_indirect_dma source(%dma_start3A_48 : memref<151936x1024xf32, #tpu.memory_space<hbm>>) target(%arg8 : memref<16x1024xf32, #tpu.memory_space<vmem>>) offsets(%dma_start3A_45 : memref<16xi32, #tpu.memory_space<vmem>>) semaphore(%arg12 : memref<!tpu.dma_semaphore, #tpu.memory_space<semaphore_mem>>)
    %scan3A = arith.constant 0 : i32
    %scan3A_49 = arith.constant 16 : i32
    %scan3A_50 = arith.addi %scan3A, %scan3A_49 : i32
    %scan3A_51 = arith.constant 1 : i32
    scf.for %scan3A_76 = %scan3A to %scan3A_50 step %scan3A_51  : i32 {
      %mul3A_77 = arith.constant 4 : i32
      %mul3A_78 = arith.muli %scan3A_76, %mul3A_77 : i32
      %add3A_79 = arith.constant 0 : i32
      %add3A_80 = arith.addi %mul3A_78, %add3A_79 : i32
      %mul3A_81 = arith.constant 16 : i32
      %mul3A_82 = arith.muli %add3A_80, %mul3A_81 : i32
      %dma_wait3A_83 = tpu.memref_slice %arg5[%mul3A_82] : memref<1024xi32, #tpu.memory_space<vmem>> -> memref<16xi32, #tpu.memory_space<vmem>>
      %dma_wait3A_84 = arith.constant 0 : i32
      %dma_wait3A_85 = arith.constant 0 : i32
      %dma_wait3A_86 = tpu.memref_slice %arg2[%dma_wait3A_84, %dma_wait3A_85] : memref<151936x1024xf32, #tpu.memory_space<hbm>> -> memref<151936x1024xf32, #tpu.memory_space<hbm>>
      tpu.wait_indirect_dma semaphore(%arg10 : memref<!tpu.dma_semaphore, #tpu.memory_space<semaphore_mem>>) src(%dma_wait3A_86 : memref<151936x1024xf32, #tpu.memory_space<hbm>>) dst(%arg6 : memref<16x1024xf32, #tpu.memory_space<vmem>>)
      %mul3A_87 = arith.constant 16 : i32
      %mul3A_88 = arith.muli %add3A_80, %mul3A_87 : i32
      %add3A_89 = arith.addi %mul3A_2, %mul3A_88 : i32
      %dma_start3A_90 = arith.constant 0 : i32
      %dma_start3A_91 = tpu.memref_slice %arg4[%add3A_89, %dma_start3A_90] : memref<32768x1024xf32, #tpu.memory_space<hbm>> -> memref<16x1024xf32, #tpu.memory_space<hbm>>
      %dma_start3A_92 = arith.constant 0 : i32
      %dma_start3A_93 = tpu.memref_slice %arg4[%add3A_89, %dma_start3A_92] : memref<32768x1024xf32, #tpu.memory_space<hbm>> -> memref<16x1024xf32, #tpu.memory_space<hbm>>
      tpu.enqueue_dma source(%arg6 : memref<16x1024xf32, #tpu.memory_space<vmem>>) target(%dma_start3A_93 : memref<16x1024xf32, #tpu.memory_space<hbm>>) target_semaphore(%arg14 : memref<!tpu.dma_semaphore, #tpu.memory_space<semaphore_mem>>)
      %add3A_94 = arith.constant 4 : i32
      %add3A_95 = arith.addi %add3A_80, %add3A_94 : i32
      %sub3A_96 = arith.constant 1 : i32
      %sub3A_97 = arith.subi %add3A_95, %sub3A_96 : i32
      %lt3A_98 = arith.constant 64 : i32
      %lt3A_99 = arith.cmpi slt, %sub3A_97, %lt3A_98 : i32
      %convert_element_type3A = arith.extui %lt3A_99 : i1 to i32
      %cond3A = arith.constant 0 : i32
      %cond3A_100 = arith.cmpi ne, %convert_element_type3A, %cond3A : i32
      scf.if %cond3A_100 {
        %ge3A = arith.constant 1 : i32
        %ge3A_179 = arith.cmpi sge, %add3A_80, %ge3A : i32
        %convert_element_type3A_180 = arith.extui %ge3A_179 : i1 to i32
        %cond3A_181 = arith.constant 0 : i32
        %cond3A_182 = arith.cmpi ne, %convert_element_type3A_180, %cond3A_181 : i32
        scf.if %cond3A_182 {
          %sub3A_189 = arith.constant 1 : i32
          %sub3A_190 = arith.subi %add3A_80, %sub3A_189 : i32
          %mul3A_191 = arith.constant 16 : i32
          %mul3A_192 = arith.muli %sub3A_190, %mul3A_191 : i32
          %add3A_193 = arith.addi %mul3A_2, %mul3A_192 : i32
          %dma_wait3A_194 = arith.constant 0 : i32
          %dma_wait3A_195 = tpu.memref_slice %arg4[%add3A_193, %dma_wait3A_194] : memref<32768x1024xf32, #tpu.memory_space<hbm>> -> memref<16x1024xf32, #tpu.memory_space<hbm>>
          %dma_wait3A_196 = arith.constant 0 : i32
          %dma_wait3A_197 = tpu.memref_slice %arg4[%add3A_193, %dma_wait3A_196] : memref<32768x1024xf32, #tpu.memory_space<hbm>> -> memref<16x1024xf32, #tpu.memory_space<hbm>>
          tpu.wait_dma2 semaphore(%arg17 : memref<!tpu.dma_semaphore, #tpu.memory_space<semaphore_mem>>) src(%arg9 : memref<16x1024xf32, #tpu.memory_space<vmem>>) dst(%dma_wait3A_197 : memref<16x1024xf32, #tpu.memory_space<hbm>>)
        } else {
        }
        %mul3A_183 = arith.constant 16 : i32
        %mul3A_184 = arith.muli %sub3A_97, %mul3A_183 : i32
        %dma_start3A_185 = tpu.memref_slice %arg5[%mul3A_184] : memref<1024xi32, #tpu.memory_space<vmem>> -> memref<16xi32, #tpu.memory_space<vmem>>
        %dma_start3A_186 = arith.constant 0 : i32
        %dma_start3A_187 = arith.constant 0 : i32
        %dma_start3A_188 = tpu.memref_slice %arg2[%dma_start3A_186, %dma_start3A_187] : memref<151936x1024xf32, #tpu.memory_space<hbm>> -> memref<151936x1024xf32, #tpu.memory_space<hbm>>
        tpu.enqueue_indirect_dma source(%dma_start3A_188 : memref<151936x1024xf32, #tpu.memory_space<hbm>>) target(%arg9 : memref<16x1024xf32, #tpu.memory_space<vmem>>) offsets(%dma_start3A_185 : memref<16xi32, #tpu.memory_space<vmem>>) semaphore(%arg13 : memref<!tpu.dma_semaphore, #tpu.memory_space<semaphore_mem>>)
      } else {
      }
      %mul3A_101 = arith.constant 4 : i32
      %mul3A_102 = arith.muli %scan3A_76, %mul3A_101 : i32
      %add3A_103 = arith.constant 1 : i32
      %add3A_104 = arith.addi %mul3A_102, %add3A_103 : i32
      %mul3A_105 = arith.constant 16 : i32
      %mul3A_106 = arith.muli %add3A_104, %mul3A_105 : i32
      %dma_wait3A_107 = tpu.memref_slice %arg5[%mul3A_106] : memref<1024xi32, #tpu.memory_space<vmem>> -> memref<16xi32, #tpu.memory_space<vmem>>
      %dma_wait3A_108 = arith.constant 0 : i32
      %dma_wait3A_109 = arith.constant 0 : i32
      %dma_wait3A_110 = tpu.memref_slice %arg2[%dma_wait3A_108, %dma_wait3A_109] : memref<151936x1024xf32, #tpu.memory_space<hbm>> -> memref<151936x1024xf32, #tpu.memory_space<hbm>>
      tpu.wait_indirect_dma semaphore(%arg11 : memref<!tpu.dma_semaphore, #tpu.memory_space<semaphore_mem>>) src(%dma_wait3A_110 : memref<151936x1024xf32, #tpu.memory_space<hbm>>) dst(%arg7 : memref<16x1024xf32, #tpu.memory_space<vmem>>)
      %mul3A_111 = arith.constant 16 : i32
      %mul3A_112 = arith.muli %add3A_104, %mul3A_111 : i32
      %add3A_113 = arith.addi %mul3A_2, %mul3A_112 : i32
      %dma_start3A_114 = arith.constant 0 : i32
      %dma_start3A_115 = tpu.memref_slice %arg4[%add3A_113, %dma_start3A_114] : memref<32768x1024xf32, #tpu.memory_space<hbm>> -> memref<16x1024xf32, #tpu.memory_space<hbm>>
      %dma_start3A_116 = arith.constant 0 : i32
      %dma_start3A_117 = tpu.memref_slice %arg4[%add3A_113, %dma_start3A_116] : memref<32768x1024xf32, #tpu.memory_space<hbm>> -> memref<16x1024xf32, #tpu.memory_space<hbm>>
      tpu.enqueue_dma source(%arg7 : memref<16x1024xf32, #tpu.memory_space<vmem>>) target(%dma_start3A_117 : memref<16x1024xf32, #tpu.memory_space<hbm>>) target_semaphore(%arg15 : memref<!tpu.dma_semaphore, #tpu.memory_space<semaphore_mem>>)
      %add3A_118 = arith.constant 4 : i32
      %add3A_119 = arith.addi %add3A_104, %add3A_118 : i32
      %sub3A_120 = arith.constant 1 : i32
      %sub3A_121 = arith.subi %add3A_119, %sub3A_120 : i32
      %lt3A_122 = arith.constant 64 : i32
      %lt3A_123 = arith.cmpi slt, %sub3A_121, %lt3A_122 : i32
      %convert_element_type3A_124 = arith.extui %lt3A_123 : i1 to i32
      %cond3A_125 = arith.constant 0 : i32
      %cond3A_126 = arith.cmpi ne, %convert_element_type3A_124, %cond3A_125 : i32
      scf.if %cond3A_126 {
        %ge3A = arith.constant 1 : i32
        %ge3A_179 = arith.cmpi sge, %add3A_104, %ge3A : i32
        %convert_element_type3A_180 = arith.extui %ge3A_179 : i1 to i32
        %cond3A_181 = arith.constant 0 : i32
        %cond3A_182 = arith.cmpi ne, %convert_element_type3A_180, %cond3A_181 : i32
        scf.if %cond3A_182 {
          %sub3A_189 = arith.constant 1 : i32
          %sub3A_190 = arith.subi %add3A_104, %sub3A_189 : i32
          %mul3A_191 = arith.constant 16 : i32
          %mul3A_192 = arith.muli %sub3A_190, %mul3A_191 : i32
          %add3A_193 = arith.addi %mul3A_2, %mul3A_192 : i32
          %dma_wait3A_194 = arith.constant 0 : i32
          %dma_wait3A_195 = tpu.memref_slice %arg4[%add3A_193, %dma_wait3A_194] : memref<32768x1024xf32, #tpu.memory_space<hbm>> -> memref<16x1024xf32, #tpu.memory_space<hbm>>
          %dma_wait3A_196 = arith.constant 0 : i32
          %dma_wait3A_197 = tpu.memref_slice %arg4[%add3A_193, %dma_wait3A_196] : memref<32768x1024xf32, #tpu.memory_space<hbm>> -> memref<16x1024xf32, #tpu.memory_space<hbm>>
          tpu.wait_dma2 semaphore(%arg14 : memref<!tpu.dma_semaphore, #tpu.memory_space<semaphore_mem>>) src(%arg6 : memref<16x1024xf32, #tpu.memory_space<vmem>>) dst(%dma_wait3A_197 : memref<16x1024xf32, #tpu.memory_space<hbm>>)
        } else {
        }
        %mul3A_183 = arith.constant 16 : i32
        %mul3A_184 = arith.muli %sub3A_121, %mul3A_183 : i32
        %dma_start3A_185 = tpu.memref_slice %arg5[%mul3A_184] : memref<1024xi32, #tpu.memory_space<vmem>> -> memref<16xi32, #tpu.memory_space<vmem>>
        %dma_start3A_186 = arith.constant 0 : i32
        %dma_start3A_187 = arith.constant 0 : i32
        %dma_start3A_188 = tpu.memref_slice %arg2[%dma_start3A_186, %dma_start3A_187] : memref<151936x1024xf32, #tpu.memory_space<hbm>> -> memref<151936x1024xf32, #tpu.memory_space<hbm>>
        tpu.enqueue_indirect_dma source(%dma_start3A_188 : memref<151936x1024xf32, #tpu.memory_space<hbm>>) target(%arg6 : memref<16x1024xf32, #tpu.memory_space<vmem>>) offsets(%dma_start3A_185 : memref<16xi32, #tpu.memory_space<vmem>>) semaphore(%arg10 : memref<!tpu.dma_semaphore, #tpu.memory_space<semaphore_mem>>)
      } else {
      }
      %mul3A_127 = arith.constant 4 : i32
      %mul3A_128 = arith.muli %scan3A_76, %mul3A_127 : i32
      %add3A_129 = arith.constant 2 : i32
      %add3A_130 = arith.addi %mul3A_128, %add3A_129 : i32
      %mul3A_131 = arith.constant 16 : i32
      %mul3A_132 = arith.muli %add3A_130, %mul3A_131 : i32
      %dma_wait3A_133 = tpu.memref_slice %arg5[%mul3A_132] : memref<1024xi32, #tpu.memory_space<vmem>> -> memref<16xi32, #tpu.memory_space<vmem>>
      %dma_wait3A_134 = arith.constant 0 : i32
      %dma_wait3A_135 = arith.constant 0 : i32
      %dma_wait3A_136 = tpu.memref_slice %arg2[%dma_wait3A_134, %dma_wait3A_135] : memref<151936x1024xf32, #tpu.memory_space<hbm>> -> memref<151936x1024xf32, #tpu.memory_space<hbm>>
      tpu.wait_indirect_dma semaphore(%arg12 : memref<!tpu.dma_semaphore, #tpu.memory_space<semaphore_mem>>) src(%dma_wait3A_136 : memref<151936x1024xf32, #tpu.memory_space<hbm>>) dst(%arg8 : memref<16x1024xf32, #tpu.memory_space<vmem>>)
      %mul3A_137 = arith.constant 16 : i32
      %mul3A_138 = arith.muli %add3A_130, %mul3A_137 : i32
      %add3A_139 = arith.addi %mul3A_2, %mul3A_138 : i32
      %dma_start3A_140 = arith.constant 0 : i32
      %dma_start3A_141 = tpu.memref_slice %arg4[%add3A_139, %dma_start3A_140] : memref<32768x1024xf32, #tpu.memory_space<hbm>> -> memref<16x1024xf32, #tpu.memory_space<hbm>>
      %dma_start3A_142 = arith.constant 0 : i32
      %dma_start3A_143 = tpu.memref_slice %arg4[%add3A_139, %dma_start3A_142] : memref<32768x1024xf32, #tpu.memory_space<hbm>> -> memref<16x1024xf32, #tpu.memory_space<hbm>>
      tpu.enqueue_dma source(%arg8 : memref<16x1024xf32, #tpu.memory_space<vmem>>) target(%dma_start3A_143 : memref<16x1024xf32, #tpu.memory_space<hbm>>) target_semaphore(%arg16 : memref<!tpu.dma_semaphore, #tpu.memory_space<semaphore_mem>>)
      %add3A_144 = arith.constant 4 : i32
      %add3A_145 = arith.addi %add3A_130, %add3A_144 : i32
      %sub3A_146 = arith.constant 1 : i32
      %sub3A_147 = arith.subi %add3A_145, %sub3A_146 : i32
      %lt3A_148 = arith.constant 64 : i32
      %lt3A_149 = arith.cmpi slt, %sub3A_147, %lt3A_148 : i32
      %convert_element_type3A_150 = arith.extui %lt3A_149 : i1 to i32
      %cond3A_151 = arith.constant 0 : i32
      %cond3A_152 = arith.cmpi ne, %convert_element_type3A_150, %cond3A_151 : i32
      scf.if %cond3A_152 {
        %ge3A = arith.constant 1 : i32
        %ge3A_179 = arith.cmpi sge, %add3A_130, %ge3A : i32
        %convert_element_type3A_180 = arith.extui %ge3A_179 : i1 to i32
        %cond3A_181 = arith.constant 0 : i32
        %cond3A_182 = arith.cmpi ne, %convert_element_type3A_180, %cond3A_181 : i32
        scf.if %cond3A_182 {
          %sub3A_189 = arith.constant 1 : i32
          %sub3A_190 = arith.subi %add3A_130, %sub3A_189 : i32
          %mul3A_191 = arith.constant 16 : i32
          %mul3A_192 = arith.muli %sub3A_190, %mul3A_191 : i32
          %add3A_193 = arith.addi %mul3A_2, %mul3A_192 : i32
          %dma_wait3A_194 = arith.constant 0 : i32
          %dma_wait3A_195 = tpu.memref_slice %arg4[%add3A_193, %dma_wait3A_194] : memref<32768x1024xf32, #tpu.memory_space<hbm>> -> memref<16x1024xf32, #tpu.memory_space<hbm>>
          %dma_wait3A_196 = arith.constant 0 : i32
          %dma_wait3A_197 = tpu.memref_slice %arg4[%add3A_193, %dma_wait3A_196] : memref<32768x1024xf32, #tpu.memory_space<hbm>> -> memref<16x1024xf32, #tpu.memory_space<hbm>>
          tpu.wait_dma2 semaphore(%arg15 : memref<!tpu.dma_semaphore, #tpu.memory_space<semaphore_mem>>) src(%arg7 : memref<16x1024xf32, #tpu.memory_space<vmem>>) dst(%dma_wait3A_197 : memref<16x1024xf32, #tpu.memory_space<hbm>>)
        } else {
        }
        %mul3A_183 = arith.constant 16 : i32
        %mul3A_184 = arith.muli %sub3A_147, %mul3A_183 : i32
        %dma_start3A_185 = tpu.memref_slice %arg5[%mul3A_184] : memref<1024xi32, #tpu.memory_space<vmem>> -> memref<16xi32, #tpu.memory_space<vmem>>
        %dma_start3A_186 = arith.constant 0 : i32
        %dma_start3A_187 = arith.constant 0 : i32
        %dma_start3A_188 = tpu.memref_slice %arg2[%dma_start3A_186, %dma_start3A_187] : memref<151936x1024xf32, #tpu.memory_space<hbm>> -> memref<151936x1024xf32, #tpu.memory_space<hbm>>
        tpu.enqueue_indirect_dma source(%dma_start3A_188 : memref<151936x1024xf32, #tpu.memory_space<hbm>>) target(%arg7 : memref<16x1024xf32, #tpu.memory_space<vmem>>) offsets(%dma_start3A_185 : memref<16xi32, #tpu.memory_space<vmem>>) semaphore(%arg11 : memref<!tpu.dma_semaphore, #tpu.memory_space<semaphore_mem>>)
      } else {
      }
      %mul3A_153 = arith.constant 4 : i32
      %mul3A_154 = arith.muli %scan3A_76, %mul3A_153 : i32
      %add3A_155 = arith.constant 3 : i32
      %add3A_156 = arith.addi %mul3A_154, %add3A_155 : i32
      %mul3A_157 = arith.constant 16 : i32
      %mul3A_158 = arith.muli %add3A_156, %mul3A_157 : i32
      %dma_wait3A_159 = tpu.memref_slice %arg5[%mul3A_158] : memref<1024xi32, #tpu.memory_space<vmem>> -> memref<16xi32, #tpu.memory_space<vmem>>
      %dma_wait3A_160 = arith.constant 0 : i32
      %dma_wait3A_161 = arith.constant 0 : i32
      %dma_wait3A_162 = tpu.memref_slice %arg2[%dma_wait3A_160, %dma_wait3A_161] : memref<151936x1024xf32, #tpu.memory_space<hbm>> -> memref<151936x1024xf32, #tpu.memory_space<hbm>>
      tpu.wait_indirect_dma semaphore(%arg13 : memref<!tpu.dma_semaphore, #tpu.memory_space<semaphore_mem>>) src(%dma_wait3A_162 : memref<151936x1024xf32, #tpu.memory_space<hbm>>) dst(%arg9 : memref<16x1024xf32, #tpu.memory_space<vmem>>)
      %mul3A_163 = arith.constant 16 : i32
      %mul3A_164 = arith.muli %add3A_156, %mul3A_163 : i32
      %add3A_165 = arith.addi %mul3A_2, %mul3A_164 : i32
      %dma_start3A_166 = arith.constant 0 : i32
      %dma_start3A_167 = tpu.memref_slice %arg4[%add3A_165, %dma_start3A_166] : memref<32768x1024xf32, #tpu.memory_space<hbm>> -> memref<16x1024xf32, #tpu.memory_space<hbm>>
      %dma_start3A_168 = arith.constant 0 : i32
      %dma_start3A_169 = tpu.memref_slice %arg4[%add3A_165, %dma_start3A_168] : memref<32768x1024xf32, #tpu.memory_space<hbm>> -> memref<16x1024xf32, #tpu.memory_space<hbm>>
      tpu.enqueue_dma source(%arg9 : memref<16x1024xf32, #tpu.memory_space<vmem>>) target(%dma_start3A_169 : memref<16x1024xf32, #tpu.memory_space<hbm>>) target_semaphore(%arg17 : memref<!tpu.dma_semaphore, #tpu.memory_space<semaphore_mem>>)
      %add3A_170 = arith.constant 4 : i32
      %add3A_171 = arith.addi %add3A_156, %add3A_170 : i32
      %sub3A_172 = arith.constant 1 : i32
      %sub3A_173 = arith.subi %add3A_171, %sub3A_172 : i32
      %lt3A_174 = arith.constant 64 : i32
      %lt3A_175 = arith.cmpi slt, %sub3A_173, %lt3A_174 : i32
      %convert_element_type3A_176 = arith.extui %lt3A_175 : i1 to i32
      %cond3A_177 = arith.constant 0 : i32
      %cond3A_178 = arith.cmpi ne, %convert_element_type3A_176, %cond3A_177 : i32
      scf.if %cond3A_178 {
        %ge3A = arith.constant 1 : i32
        %ge3A_179 = arith.cmpi sge, %add3A_156, %ge3A : i32
        %convert_element_type3A_180 = arith.extui %ge3A_179 : i1 to i32
        %cond3A_181 = arith.constant 0 : i32
        %cond3A_182 = arith.cmpi ne, %convert_element_type3A_180, %cond3A_181 : i32
        scf.if %cond3A_182 {
          %sub3A_189 = arith.constant 1 : i32
          %sub3A_190 = arith.subi %add3A_156, %sub3A_189 : i32
          %mul3A_191 = arith.constant 16 : i32
          %mul3A_192 = arith.muli %sub3A_190, %mul3A_191 : i32
          %add3A_193 = arith.addi %mul3A_2, %mul3A_192 : i32
          %dma_wait3A_194 = arith.constant 0 : i32
          %dma_wait3A_195 = tpu.memref_slice %arg4[%add3A_193, %dma_wait3A_194] : memref<32768x1024xf32, #tpu.memory_space<hbm>> -> memref<16x1024xf32, #tpu.memory_space<hbm>>
          %dma_wait3A_196 = arith.constant 0 : i32
          %dma_wait3A_197 = tpu.memref_slice %arg4[%add3A_193, %dma_wait3A_196] : memref<32768x1024xf32, #tpu.memory_space<hbm>> -> memref<16x1024xf32, #tpu.memory_space<hbm>>
          tpu.wait_dma2 semaphore(%arg16 : memref<!tpu.dma_semaphore, #tpu.memory_space<semaphore_mem>>) src(%arg8 : memref<16x1024xf32, #tpu.memory_space<vmem>>) dst(%dma_wait3A_197 : memref<16x1024xf32, #tpu.memory_space<hbm>>)
        } else {
        }
        %mul3A_183 = arith.constant 16 : i32
        %mul3A_184 = arith.muli %sub3A_173, %mul3A_183 : i32
        %dma_start3A_185 = tpu.memref_slice %arg5[%mul3A_184] : memref<1024xi32, #tpu.memory_space<vmem>> -> memref<16xi32, #tpu.memory_space<vmem>>
        %dma_start3A_186 = arith.constant 0 : i32
        %dma_start3A_187 = arith.constant 0 : i32
        %dma_start3A_188 = tpu.memref_slice %arg2[%dma_start3A_186, %dma_start3A_187] : memref<151936x1024xf32, #tpu.memory_space<hbm>> -> memref<151936x1024xf32, #tpu.memory_space<hbm>>
        tpu.enqueue_indirect_dma source(%dma_start3A_188 : memref<151936x1024xf32, #tpu.memory_space<hbm>>) target(%arg8 : memref<16x1024xf32, #tpu.memory_space<vmem>>) offsets(%dma_start3A_185 : memref<16xi32, #tpu.memory_space<vmem>>) semaphore(%arg12 : memref<!tpu.dma_semaphore, #tpu.memory_space<semaphore_mem>>)
      } else {
      }
    }
    %scan3A_52 = arith.constant 16 : i32
    %add3A_53 = arith.constant 960 : i32
    %add3A_54 = arith.addi %mul3A_2, %add3A_53 : i32
    %dma_wait3A = arith.constant 0 : i32
    %dma_wait3A_55 = tpu.memref_slice %arg4[%add3A_54, %dma_wait3A] : memref<32768x1024xf32, #tpu.memory_space<hbm>> -> memref<16x1024xf32, #tpu.memory_space<hbm>>
    %dma_wait3A_56 = arith.constant 0 : i32
    %dma_wait3A_57 = tpu.memref_slice %arg4[%add3A_54, %dma_wait3A_56] : memref<32768x1024xf32, #tpu.memory_space<hbm>> -> memref<16x1024xf32, #tpu.memory_space<hbm>>
    tpu.wait_dma2 semaphore(%arg14 : memref<!tpu.dma_semaphore, #tpu.memory_space<semaphore_mem>>) src(%arg6 : memref<16x1024xf32, #tpu.memory_space<vmem>>) dst(%dma_wait3A_57 : memref<16x1024xf32, #tpu.memory_space<hbm>>)
    %add3A_58 = arith.constant 976 : i32
    %add3A_59 = arith.addi %mul3A_2, %add3A_58 : i32
    %dma_wait3A_60 = arith.constant 0 : i32
    %dma_wait3A_61 = tpu.memref_slice %arg4[%add3A_59, %dma_wait3A_60] : memref<32768x1024xf32, #tpu.memory_space<hbm>> -> memref<16x1024xf32, #tpu.memory_space<hbm>>
    %dma_wait3A_62 = arith.constant 0 : i32
    %dma_wait3A_63 = tpu.memref_slice %arg4[%add3A_59, %dma_wait3A_62] : memref<32768x1024xf32, #tpu.memory_space<hbm>> -> memref<16x1024xf32, #tpu.memory_space<hbm>>
    tpu.wait_dma2 semaphore(%arg15 : memref<!tpu.dma_semaphore, #tpu.memory_space<semaphore_mem>>) src(%arg7 : memref<16x1024xf32, #tpu.memory_space<vmem>>) dst(%dma_wait3A_63 : memref<16x1024xf32, #tpu.memory_space<hbm>>)
    %add3A_64 = arith.constant 992 : i32
    %add3A_65 = arith.addi %mul3A_2, %add3A_64 : i32
    %dma_wait3A_66 = arith.constant 0 : i32
    %dma_wait3A_67 = tpu.memref_slice %arg4[%add3A_65, %dma_wait3A_66] : memref<32768x1024xf32, #tpu.memory_space<hbm>> -> memref<16x1024xf32, #tpu.memory_space<hbm>>
    %dma_wait3A_68 = arith.constant 0 : i32
    %dma_wait3A_69 = tpu.memref_slice %arg4[%add3A_65, %dma_wait3A_68] : memref<32768x1024xf32, #tpu.memory_space<hbm>> -> memref<16x1024xf32, #tpu.memory_space<hbm>>
    tpu.wait_dma2 semaphore(%arg16 : memref<!tpu.dma_semaphore, #tpu.memory_space<semaphore_mem>>) src(%arg8 : memref<16x1024xf32, #tpu.memory_space<vmem>>) dst(%dma_wait3A_69 : memref<16x1024xf32, #tpu.memory_space<hbm>>)
    %add3A_70 = arith.constant 1008 : i32
    %add3A_71 = arith.addi %mul3A_2, %add3A_70 : i32
    %dma_wait3A_72 = arith.constant 0 : i32
    %dma_wait3A_73 = tpu.memref_slice %arg4[%add3A_71, %dma_wait3A_72] : memref<32768x1024xf32, #tpu.memory_space<hbm>> -> memref<16x1024xf32, #tpu.memory_space<hbm>>
    %dma_wait3A_74 = arith.constant 0 : i32
    %dma_wait3A_75 = tpu.memref_slice %arg4[%add3A_71, %dma_wait3A_74] : memref<32768x1024xf32, #tpu.memory_space<hbm>> -> memref<16x1024xf32, #tpu.memory_space<hbm>>
    tpu.wait_dma2 semaphore(%arg17 : memref<!tpu.dma_semaphore, #tpu.memory_space<semaphore_mem>>) src(%arg9 : memref<16x1024xf32, #tpu.memory_space<vmem>>) dst(%dma_wait3A_75 : memref<16x1024xf32, #tpu.memory_space<hbm>>)
    return
  }
}

</mosaic_0001>

<sc_bundles>
// kernel: kernel.3.cloned.1.call-start
scs
__scs_entry_jumppad:
0x0: {  	(pc) =	sbr.rel $0x88, $3  }
0x1: {  	(tag) =	ssettag $0x0;
	lr =	simm.s32 $0x1  }
0x2: {  	[smem:$0x3F9F] =	sst lr;
	_ =	strace $0xD0000000  }
0x3: {  	_ = 	snop  }
0x4: {  	_ = 	snop  }
0x5: {  	_ = 	snop  }
0x6: {  	_ = 	snop  }
0x7: {  	_ = 	snop  }
__scs_overlays_trampoline_lowered:
0x8: {  	[smem:$0x3FAE] =	sst s0  }
0x9: {  	[smem:$0x3FAF] =	sst s1  }
0xa: {  	[smem:$0x3FB0] =	sst s2  }
0xb: {  	[smem:$0x3FB1] =	sst s3  }
0xc: {  	[smem:$0x3FB2] =	sst s4  }
0xd: {  	[smem:$0x3FB3] =	sst s5  }
0xe: {  	[smem:$0x3FB4] =	sst s6  }
0xf: {  	[smem:$0x3FB5] =	sst s7  }
0x10: {  	[smem:$0x3FB6] =	sst s8  }
0x11: {  	[smem:$0x3FB7] =	sst s9;
	s0 =	simm.s32 @!p0 $0x0  }
0x12: {  	s1 =	sld [smem:$0x3F9D];
	s0 =	simm.s32 @p0 $0x1  }
0x13: {  	[smem:$0x3FB8] =	sst s0;
	s0 =	simm.s32 @!p1 $0x0  }
0x14: {  	s2 =	sld [smem:$0x3F9C];
	s0 =	simm.s32 @p1 $0x1  }
0x15: {  	[smem:$0x3FB9] =	sst s0;
	s0 =	simm.s32 @!p2 $0x0  }
0x16: {  	s3 =	sld [smem:$0x3FDB];
	s0 =	simm.s32 @p2 $0x1  }
0x17: {  	s4 =	simm.s32 $0x1BF5;
	[smem:$0x3FBB] =	sst s0  }
0x18: {  	s0 =	sld [smem:$0x3F9E];
	_ =	swait.ge [sflag:s4], $0x0  }
0x19: {  	s7 =	sld [smem:$0x3F9F]  }
0x1a: {  	s8 =	sadd.s32 $0xFFFFE003, lr  }
0x1b: {  	s9 =	sadd.s32 $0xFFFFFEF7, lr;
	s5 =	simm.s32 $0xFFFFFFFF;
	p2 =	slt.u32 s8, $0xFFFFF086  }
0x1c: {  	p1 =	slt.u32 s9, $0xF7A;
	s5 =	simm.s32 @!p2 $0x0  }
0x1d: {  	s5 =	simm.s32 @p1 $0x1;
	p0 =	seq.s32 s7, s2  }
0x1e: {  	s7 =	smul.u32 @!p0 $0xF7A, s2;
	p2 =	seq.s32 @!p0 s5, $0x0  }
0x1f: {  	s9 =	smul.u32 $0xF7A, s1;
	s8 =	simm.s32 @!p0 $0x1BF5;
	p2 =	por !p2, p0  }
0x20: {  	[sflag:s8] =	ssyncset.s32 @!p0 $0xFFFFF086;
	s6 =	sadd.s32 @!p0 s3, s7;
	s7 =	simm.s32 @!p0 $0x108  }
0x21: {  	s3 =	sadd.s32 s3, s9;
	s6 =	sadd.s32 @!p0 $0x88, s6;
	s7 =	simm.s32 @p2 $0x1082  }
0x22: {  	[simem:s7], [sflag:s8] =	dma.local @!p0 [hbm:s6], $0xF7A  }
0x23: {  	s9 =	sor.u32 $0xD0000000, s2;
	s6 =	simm.s32 $0x108;
	_ =	swait.ge @!p0 [sflag:s8], $0x0  }
0x24: {  	s3 =	sadd.s32 $0x88, s3;
	s6 =	simm.s32 @!p1 $0x1082;
	[sflag:s4] =	ssyncset.s32 $0xFFFFF086  }
0x25: {  	[simem:s6], [sflag:s4] =	dma.local [hbm:s3], $0xF7A  }
0x26: {  	[smem:$0x3F9F] =	sst s1;
	(tag) =	ssettag s2;
	_ =	strace s9  }
0x27: {  	s1 =	sld [smem:$0x3FAF]  }
0x28: {  	s2 =	sld [smem:$0x3FB0]  }
0x29: {  	s4 =	sld [smem:$0x3FB2]  }
0x2a: {  	p0 =	seq.s32 s5, $0x0;
	s5 =	sld [smem:$0x3FB3]  }
0x2b: {  	s6 =	sld [smem:$0x3FB4]  }
0x2c: {  	s7 =	sld [smem:$0x3FB5]  }
0x2d: {  	s3 =	simm.s32 $0x108;
	s8 =	sld [smem:$0x3FB6]  }
0x2e: {  	s3 =	simm.s32 @!p0 $0x1082;
	s9 =	sld [smem:$0x3FB7]  }
0x2f: {  	lr =	sadd.s32 s0, s3;
	s0 =	sld [smem:$0x3FAE]  }
0x30: {  	s3 =	sld [smem:$0x3FB1]  }
0x31: {  	[smem:$0x3FBA] =	sst s10  }
0x32: {  	s10 =	sld [smem:$0x3FB8];
	_ =	sdelay $0x3  }
0x33: {  	p0 =	seq.s32 s10, $0x1;
	s10 =	sld [smem:$0x3FBA];
	_ =	sdelay $0x3  }
0x34: {  	[smem:$0x3FBA] =	sst s10  }
0x35: {  	s10 =	sld [smem:$0x3FB9];
	_ =	sdelay $0x3  }
0x36: {  	p1 =	seq.s32 s10, $0x1;
	s10 =	sld [smem:$0x3FBA];
	_ =	sdelay $0x3  }
0x37: {  	[smem:$0x3FBA] =	sst s10  }
0x38: {  	s10 =	sld [smem:$0x3FBB]  }
0x39: {  	_ = 	snop;
	(pc) =	sbr.ind lr, $3  }
0x3a: {  	_ = 	snop  }
0x3b: {  	_ = 	snop  }
0x3c: {  	p2 =	seq.s32 s10, $0x1;
	s10 =	sld [smem:$0x3FBA]  }
0x3d: {  	_ =	shalt  }
0x3e: {  	_ =	shalt  }
0x3f: {  	_ =	shalt  }
0x40: {  	_ =	shalt  }
0x41: {  	_ =	shalt  }
0x42: {  	_ =	shalt  }
0x43: {  	_ =	shalt  }
0x44: {  	_ =	shalt  }
0x45: {  	_ =	shalt  }
0x46: {  	_ =	shalt  }
0x47: {  	_ =	shalt  }
0x48: {  	_ =	shalt  }
0x49: {  	_ =	shalt  }
0x4a: {  	_ =	shalt  }
0x4b: {  	_ =	shalt  }
0x4c: {  	_ =	shalt  }
0x4d: {  	_ =	shalt  }
0x4e: {  	_ =	shalt  }
0x4f: {  	_ =	shalt  }
0x50: {  	_ =	shalt  }
0x51: {  	_ =	shalt  }
0x52: {  	_ =	shalt  }
0x53: {  	_ =	shalt  }
0x54: {  	_ =	shalt  }
0x55: {  	_ =	shalt  }
0x56: {  	_ =	shalt  }
0x57: {  	_ =	shalt  }
0x58: {  	_ =	shalt  }
0x59: {  	_ =	shalt  }
0x5a: {  	_ =	shalt  }
0x5b: {  	_ =	shalt  }
0x5c: {  	_ =	shalt  }
0x5d: {  	_ =	shalt  }
0x5e: {  	_ =	shalt  }
0x5f: {  	_ =	shalt  }
0x60: {  	_ =	shalt  }
0x61: {  	_ =	shalt  }
0x62: {  	_ =	shalt  }
0x63: {  	_ =	shalt  }
0x64: {  	_ =	shalt  }
0x65: {  	_ =	shalt  }
0x66: {  	_ =	shalt  }
0x67: {  	_ =	shalt  }
0x68: {  	_ =	shalt  }
0x69: {  	_ =	shalt  }
0x6a: {  	_ =	shalt  }
0x6b: {  	_ =	shalt  }
0x6c: {  	_ =	shalt  }
0x6d: {  	_ =	shalt  }
0x6e: {  	_ =	shalt  }
0x6f: {  	_ =	shalt  }
0x70: {  	_ =	shalt  }
0x71: {  	_ =	shalt  }
0x72: {  	_ =	shalt  }
0x73: {  	_ =	shalt  }
0x74: {  	_ =	shalt  }
0x75: {  	_ =	shalt  }
0x76: {  	_ =	shalt  }
0x77: {  	_ =	shalt  }
0x78: {  	_ =	shalt  }
0x79: {  	_ =	shalt  }
0x7a: {  	_ =	shalt  }
0x7b: {  	_ =	shalt  }
0x7c: {  	_ =	shalt  }
0x7d: {  	_ =	shalt  }
0x7e: {  	_ =	shalt  }
0x7f: {  	_ =	shalt  }
0x80: {  	_ =	shalt  }
0x81: {  	_ =	shalt  }
0x82: {  	_ =	shalt  }
0x83: {  	_ =	shalt  }
0x84: {  	_ =	shalt  }
0x85: {  	_ =	shalt  }
0x86: {  	_ =	shalt  }
0x87: {  	_ =	shalt  }
.Lfunc_end0:
.L_simem_size_0:
called_computation_lowered:
.L_overlay_start_0:
0x88: {  	s2 =	sld [smem:$0x3FD9]  }
0x89: {  	s3 =	sld [smem:$0x3FFE];
	_ =	sdelay $0x1  }
0x8a: {  	s1 =	srdreg.scid  }
0x8b: {  	s0 =	sand.u32 $0x1, s1  }
0x8c: {  	s18 =	sshll.u32 s0, $0xA;
	s2 =	sadd.s32 s3, s2  }
0x8d: {  	s2 =	sadd.s32 s2, s18  }
0x8e: {  	[smem:$0x3FC6] =	sst s2  }
0x8f: {  	_ = 	snop  }
0x90: {  	s2 =	sld [smem:$0x3FC9]  }
0x91: {  	s19 =	sld [smem:$0x3FC8]  }
0x92: {  	s4 =	sld [smem:$0x3FD0];
	(tm) =	ssettm $0x1  }
0x93: {  	s5 =	sld [smem:$0x3FFB];
	_ =	sdelay $0x3  }
0x94: {  	_ =	strace s5  }
0x95: {  	s5 =	sld [smem:$0x3FFC];
	_ =	sdelay $0x3  }
0x96: {  	_ =	strace s5  }
0x97: {  	s5 =	sld [smem:$0x3FFD];
	_ =	sdelay $0x3  }
0x98: {  	_ =	strace s5  }
0x99: {  	_ =	strace $0x8FFFFFFF  }
0x9a: {  	s20 =	sld [smem:$0x3FDB];
	_ =	sdelay $0x1  }
0x9b: {  	s6 =	simm.s32 $_scs_section_size  }
0x9c: {  	s7 =	simm.s32 $_size__tile_overlayer_lowered;
	s8 =	simm.s32 $_tile_overlayer_lowered  }
0x9d: {  	s23 =	simm.s32 $0x1BFF;
	s22 =	sshll.u32 s8, $0x1;
	s5 =	sadd.s32 s6, s20  }
0x9e: {  	s9 =	simm.s32 $0x0;
	s21 =	sshll.u32 s7, $0x1;
	s7 =	sadd.s32 s22, s5  }
0x9f: {  	[timem:s9], [sflag:s23] =	dma.local [hbm:s7], s21  }
0xa0: {  	_ =	swait.ge [sflag:s23], s21  }
0xa1: {  	s6 =	ssub.s32 $0x0, s21;
	[sflag:s23] =	ssyncset.done $0x0  }
0xa2: {  	[sflag:s23] =	ssyncadd.s32 s6;
	_ =	sdelay $0x1  }
0xa3: {  	s24 =	simm.s32 $0x1B8B  }
0xa4: {  	_ =	swait.ge [sflag:s24], $0x1  }
0xa5: {  	[sflag:s24] =	ssyncset.done $0x0  }
0xa6: {  	s25 =	simm.s32 $0x1B8E;
	[sflag:s24] =	ssyncadd.s32 $0xFFFFFFFF  }
0xa7: {  	s26 =	simm.s32 $execute0_lowered;
	[smem:$0x3FD2] =	sst s25  }
0xa8: {  	s6 =	sshll.u32 s26, $0x1;
	_ =	strace $0x80000046;
	[dreg:$0x1] =	wrdreg $0xFFFFFFFF  }
0xa9: {  	s28 =	simm.s32 $_size_execute0_lowered;
	s5 =	sadd.s32 s5, s6;
	[dreg:$0x0] =	wrdreg $0x0  }
0xaa: {  	s6 =	sshll.u32 s28, $0x1;
	[dreg:$0x2] =	wrdreg s5  }
0xab: {  	[dreg:$0x3] =	wrdreg s6  }
0xac: {  	[dreg:$0x4] =	wrdreg $0xC0  }
0xad: {  	_ =	task [dreg:s9], $0x5FFFF  }
0xae: {  	[dreg:$0x1] =	wrdreg $0xFFFFFFFF  }
0xaf: {  	[dreg:$0x0] =	wrdreg $0x60  }
0xb0: {  	[dreg:$0x2] =	wrdreg s19  }
0xb1: {  	[dreg:$0x3] =	wrdreg s2  }
0xb2: {  	[dreg:$0x4] =	wrdreg s4  }
0xb3: {  	[dreg:$0x5] =	wrdreg $0x9  }
0xb4: {  	_ =	task.clear_ibuf [dreg:s9], $0x6FFFF;
	_ =	strace $0x90000046  }
0xb5: {  	s29 =	simm.s32 $0x9;
	_ =	strace $0x80000048  }
0xb6: {  	_ =	swait.ge [sflag:s29], $0x1  }
0xb7: {  	[sflag:s29] =	ssyncadd.s32 $0xFFFFFFFF  }
0xb8: {  	_ =	strace $0x90000048  }
0xb9: {  	_ =	sfence  }
0xba: {  	s30 =	sld [smem:$0x0];
	_ =	sdelay $0x2  }
0xbb: {  	s31 =	sshll.u32 s1, $0xD;
	s1 =	sshrl.u32 s1, $0x2  }
0xbc: {  	s3 =	sand.u32 $0x4000, s31;
	s1 =	sadd.s32 s1, s30  }
0xbd: {  	s0 =	sor.u32 s3, s0;
	s1 =	sshll.u32 s1, $0x11  }
0xbe: {  	s0 =	sor.u32 s1, s0  }
0xbf: {  	s0 =	sadd.s32 $0x8F2B, s0  }
0xc0: {  	[sflag:s0] =	ssyncadd.remote.s32 $0x1  }
0xc1: {  	_ =	sfence.sel $0xFFFF  }
0xc2: {  	[dreg:$0x0] =	wrdreg $0xFFFFFFFF;
	(pc) =	sbr.abs _section_cstart, $3  }
0xc3: {  	[dreg:$0x1] =	wrdreg $0xFFFFFFFF  }
0xc4: {  	_ =	task.clear_ibuf [dreg:s9], $0x2FFFF;
	_ =	strace $0x9FFFFFFF  }
0xc5: {  	(tm) =	ssettm $0x7FFFFFFF  }
tec
execute0_lowered:
.L_overlay_start_1:
0x0: {  	(tag) =	ssettag $0x1  }
0x1: {  	s1 =	rddreg [dreg:$0x0]  }
0x2: {  	s0 =	rddreg [dreg:$0x1]  }
0x3: {  	s2 =	rddreg [dreg:$0x2];
	s3 =	simm.s32 $0x0;
	s4 =	srdreg.scid  }
0x4: {  	s9 =	stileid.u32;
	s13 =	simm.s32 $0x400;
	s21 =	simm.s32 $0x4400  }
0x5: {  	s30 =	simm.s32 $0x8400;
	s11 =	simm.s32 $0x8C00;
	s12 =	simm.s32 $0x1  }
0x6: {  	s14 =	simm.s32 $0xC400;
	s15 =	simm.s32 $0xCC00;
	s16 =	simm.s32 $0xD400  }
0x7: {  	s17 =	simm.s32 $0xDC00;
	s18 =	simm.s32 $0xE400;
	s19 =	simm.s32 $0xEC00  }
0x8: {  	s20 =	simm.s32 $0xF400;
	s22 =	simm.s32 $0xFC00;
	s23 =	simm.s32 $0x2  }
0x9: {  	s28 =	simm.s32 $0x6;
	s29 =	simm.s32 $0x7;
	s10 =	simm.s32 $0x0  }
0xa: {  	[smem:$0x7FF] =	sst s3;
	s4 =	sand.u32 $0x1, s4;
	s5 =	sshll.u32 s9, $0xA  }
0xb: {  	s7 =	sshll.u32 s9, $0x2;
	s26 =	sshll.u32 s9, $0x12;
	_ =	strace $0x80000047  }
0xc: {  	s6 =	sshll.u32 s4, $0x9;
	s8 =	ssub.s32 $0x2, s4;
	s24 =	sand.u32 $0x30, s7  }
0xd: {  	s7 =	sadd.s32 $0x300, s1;
	s31 =	sshll.u32 s4, $0x11;
	s4 =	simm.s32 $0xB400  }
0xe: {  	s5 =	sor.u32 s6, s5;
	s25 =	sshrl.u32 s8, $0x1;
	s0 =	sadd.s32 s0, s24  }
.Ltmp0:
0xf: {  	s6 =	sadd.s32 $0x200, s1;
	s5 =	sand.u32 $0xE00, s5;
	(pc) =	sbr.rel .LBB2_1-.Ltmp0, $4  }
0x10: {  	s24 =	simm.s32 $0x3;
	s8 =	ssub.s32 s8, s25;
	s0 =	sadd.s32 s5, s0  }
0x11: {  	v2 =	vlaneseq.u32;
	s25 =	simm.s32 $0x4;
	s8 =	smax.u32 s8, $0x1;
	[dreg:$0x4] =	wrdreg s0  }
0x12: {  	vm0 =	vmmov $0xffff;
	v1 =	vshrl.u32 v2, $0x3;
	s5 =	sadd.s32 $0x100, s1;
	[dreg:$0x5] =	wrdreg s8;
	s0 =	sadd.s32 s26, s2  }
0x13: {  	v0 =	vand.u32 $0x7, v2;
	v2 =	vor.u32 $0x8, v2;
	v1 =	vmul.u32 $0x8, v1;
	s8 =	simm.s32 $0xBC00;
	s26 =	simm.s32 $0x5;
	s9 =	sadd.s32 s31, s0  }
.LBB2_7:
0x14: {  	_ =	swait.ge [sflag:s26], $0x4000  }
0x15: {  	[sflag:s26] =	ssyncset.done $0x0  }
0x16: {  	[sflag:s26] =	ssyncadd.s32 $0xFFFFC000  }
0x17: {  	_ =	swait.ge [sflag:s28], $0x4000  }
0x18: {  	[sflag:s28] =	ssyncset.done $0x0  }
0x19: {  	[sflag:s28] =	ssyncadd.s32 $0xFFFFC000  }
0x1a: {  	_ =	swait.ge [sflag:s29], $0x4000  }
0x1b: {  	[sflag:s29] =	ssyncset.done $0x0  }
0x1c: {  	s2 =	simm.s32 $0x8;
	[sflag:s29] =	ssyncadd.s32 $0xFFFFC000  }
0x1d: {  	_ =	swait.ge [sflag:s2], $0x4000  }
0x1e: {  	s10 =	rddreg [dreg:$0x6]  }
0x1f: {  	s0 =	rddreg [dreg:$0x5];
	s10 =	sadd.s32 $0x1, s10  }
0x20: {  	p0 =	sne.s32 s10, s0  }
.Ltmp1:
0x21: {  	_ = 	snop;
	(pc) =	sbr.rel @!p0 .LBB2_8-.Ltmp1, $3  }
0x22: {  	_ =	sdelay $0x1  }
0x23: {  	[sflag:s2] =	ssyncset.done $0x0  }
0x24: {  	[sflag:s2] =	ssyncadd.s32 $0xFFFFC000  }
.LBB2_1:
0x25: {  	[dreg:$0x6] =	wrdreg s10  }
0x26: {  	s0 =	rddreg [dreg:$0x4];
	s2 =	simm.s32 $0x80;
	s10 =	simm.s32 $0x200  }
0x27: {  	[tilespmem:s3], [sflag:$0x9] =	stream.strided.gather [hbm4b:s0+s2], $0x400, s10, s2, $0x38;
	[tilespmem:$0x10400] =	vst v63  }
0x28: {  	s10 =	simm.s32 $0x9  }
0x29: {  	_ =	swait.ge [sflag:s10], $0x400  }
0x2a: {  	[sflag:s10] =	ssyncset.done $0x0  }
0x2b: {  	[sflag:s10] =	ssyncadd.s32 $0xFFFFFC00  }
0x2c: {  	v3 =	vld [tilespmem:$0x0];
	_ =	sdelay $0x4  }
0x2d: {  	v4 =	vshll.u32 v3, $0x3  }
0x2e: {  	v3 =	vand.u32 $0x7, v3;
	v4 =	vand.u32 $0xFFFFFFC0, v4  }
0x2f: {  	v3 =	vor.u32 v3, v4  }
0x30: {  	v4 =	vperm.xlane v3, v0;
	_ =	sdelay $0x1  }
0x31: {  	v4 =	vadd.s32 v1, v4;
	_ =	sdelay $0x4  }
0x32: {  	[tilespmem:s13], [sflag:$0x1] =	stream.indirect_vreg.gather [hbm4b:s1+s3], $0x80, v4, vm0, $0xb8;
	[tilespmem:$0x10400] =	vst v63  }
0x33: {  	s2 =	simm.s32 $0xC00;
	v3 =	vperm.xlane v3, v2  }
0x34: {  	[tilespmem:s2], [sflag:$0x1] =	stream.indirect_vreg.gather [hbm4b:s5+s3], $0x80, v4, vm0, $0xb8;
	[tilespmem:$0x10400] =	vst v63  }
0x35: {  	s10 =	simm.s32 $0x1400;
	v3 =	vadd.s32 v1, v3  }
0x36: {  	[tilespmem:s10], [sflag:$0x1] =	stream.indirect_vreg.gather [hbm4b:s6+s3], $0x80, v4, vm0, $0xb8;
	[tilespmem:$0x10400] =	vst v63  }
0x37: {  	s2 =	simm.s32 $0x1C00  }
0x38: {  	[tilespmem:s2], [sflag:$0x1] =	stream.indirect_vreg.gather [hbm4b:s7+s3], $0x80, v4, vm0, $0xb8;
	[tilespmem:$0x10400] =	vst v63  }
0x39: {  	s10 =	simm.s32 $0x2400  }
0x3a: {  	[tilespmem:s10], [sflag:$0x1] =	stream.indirect_vreg.gather [hbm4b:s1+s3], $0x80, v3, vm0, $0xb8;
	[tilespmem:$0x10400] =	vst v63  }
0x3b: {  	s2 =	simm.s32 $0x2C00  }
0x3c: {  	[tilespmem:s2], [sflag:$0x1] =	stream.indirect_vreg.gather [hbm4b:s5+s3], $0x80, v3, vm0, $0xb8;
	[tilespmem:$0x10400] =	vst v63  }
0x3d: {  	s10 =	simm.s32 $0x3400  }
0x3e: {  	[tilespmem:s10], [sflag:$0x1] =	stream.indirect_vreg.gather [hbm4b:s6+s3], $0x80, v3, vm0, $0xb8;
	[tilespmem:$0x10400] =	vst v63  }
0x3f: {  	s2 =	simm.s32 $0x3C00  }
0x40: {  	[tilespmem:s2], [sflag:$0x1] =	stream.indirect_vreg.gather [hbm4b:s7+s3], $0x80, v3, vm0, $0xb8;
	[tilespmem:$0x10400] =	vst v63  }
0x41: {  	v3 =	vld [tilespmem:$0x10];
	_ =	sdelay $0x4  }
0x42: {  	v62 =	vshll.u32 v3, $0x3  }
0x43: {  	v3 =	vand.u32 $0x7, v3;
	v4 =	vand.u32 $0xFFFFFFC0, v62  }
0x44: {  	v3 =	vor.u32 v3, v4  }
0x45: {  	v4 =	vperm.xlane v3, v0;
	_ =	sdelay $0x1  }
0x46: {  	v4 =	vadd.s32 v1, v4;
	_ =	sdelay $0x4  }
0x47: {  	[tilespmem:s21], [sflag:$0x2] =	stream.indirect_vreg.gather [hbm4b:s1+s3], $0x80, v4, vm0, $0xb8;
	[tilespmem:$0x10400] =	vst v63  }
0x48: {  	s10 =	simm.s32 $0x4C00;
	v3 =	vperm.xlane v3, v2  }
0x49: {  	[tilespmem:s10], [sflag:$0x2] =	stream.indirect_vreg.gather [hbm4b:s5+s3], $0x80, v4, vm0, $0xb8;
	[tilespmem:$0x10400] =	vst v63  }
0x4a: {  	s2 =	simm.s32 $0x5400;
	v3 =	vadd.s32 v1, v3  }
0x4b: {  	[tilespmem:s2], [sflag:$0x2] =	stream.indirect_vreg.gather [hbm4b:s6+s3], $0x80, v4, vm0, $0xb8;
	[tilespmem:$0x10400] =	vst v63  }
0x4c: {  	s10 =	simm.s32 $0x5C00  }
0x4d: {  	[tilespmem:s10], [sflag:$0x2] =	stream.indirect_vreg.gather [hbm4b:s7+s3], $0x80, v4, vm0, $0xb8;
	[tilespmem:$0x10400] =	vst v63  }
0x4e: {  	s2 =	simm.s32 $0x6400  }
0x4f: {  	[tilespmem:s2], [sflag:$0x2] =	stream.indirect_vreg.gather [hbm4b:s1+s3], $0x80, v3, vm0, $0xb8;
	[tilespmem:$0x10400] =	vst v63  }
0x50: {  	s10 =	simm.s32 $0x6C00  }
0x51: {  	[tilespmem:s10], [sflag:$0x2] =	stream.indirect_vreg.gather [hbm4b:s5+s3], $0x80, v3, vm0, $0xb8;
	[tilespmem:$0x10400] =	vst v63  }
0x52: {  	s2 =	simm.s32 $0x7400  }
0x53: {  	[tilespmem:s2], [sflag:$0x2] =	stream.indirect_vreg.gather [hbm4b:s6+s3], $0x80, v3, vm0, $0xb8;
	[tilespmem:$0x10400] =	vst v63  }
0x54: {  	s10 =	simm.s32 $0x7C00  }
0x55: {  	[tilespmem:s10], [sflag:$0x2] =	stream.indirect_vreg.gather [hbm4b:s7+s3], $0x80, v3, vm0, $0xb8;
	[tilespmem:$0x10400] =	vst v63  }
0x56: {  	v3 =	vld [tilespmem:$0x20];
	_ =	sdelay $0x4  }
0x57: {  	v63 =	vshll.u32 v3, $0x3  }
0x58: {  	v3 =	vand.u32 $0x7, v3;
	v4 =	vand.u32 $0xFFFFFFC0, v63  }
0x59: {  	v3 =	vor.u32 v3, v4  }
0x5a: {  	v4 =	vperm.xlane v3, v0;
	_ =	sdelay $0x1  }
0x5b: {  	v4 =	vadd.s32 v1, v4;
	_ =	sdelay $0x4  }
0x5c: {  	[tilespmem:s30], [sflag:$0x3] =	stream.indirect_vreg.gather [hbm4b:s1+s3], $0x80, v4, vm0, $0xb8;
	[tilespmem:$0x10400] =	vst v63  }
0x5d: {  	v3 =	vperm.xlane v3, v2  }
0x5e: {  	[tilespmem:s11], [sflag:$0x3] =	stream.indirect_vreg.gather [hbm4b:s5+s3], $0x80, v4, vm0, $0xb8;
	[tilespmem:$0x10400] =	vst v63  }
0x5f: {  	s2 =	simm.s32 $0x9400;
	v3 =	vadd.s32 v1, v3  }
0x60: {  	[tilespmem:s2], [sflag:$0x3] =	stream.indirect_vreg.gather [hbm4b:s6+s3], $0x80, v4, vm0, $0xb8;
	[tilespmem:$0x10400] =	vst v63  }
0x61: {  	s10 =	simm.s32 $0x9C00  }
0x62: {  	[tilespmem:s10], [sflag:$0x3] =	stream.indirect_vreg.gather [hbm4b:s7+s3], $0x80, v4, vm0, $0xb8;
	[tilespmem:$0x10400] =	vst v63  }
0x63: {  	s2 =	simm.s32 $0xA400  }
0x64: {  	[tilespmem:s2], [sflag:$0x3] =	stream.indirect_vreg.gather [hbm4b:s1+s3], $0x80, v3, vm0, $0xb8;
	[tilespmem:$0x10400] =	vst v63  }
0x65: {  	s10 =	simm.s32 $0xAC00  }
0x66: {  	[tilespmem:s10], [sflag:$0x3] =	stream.indirect_vreg.gather [hbm4b:s5+s3], $0x80, v3, vm0, $0xb8;
	[tilespmem:$0x10400] =	vst v63  }
0x67: {  	_ = 	snop  }
0x68: {  	[tilespmem:s4], [sflag:$0x3] =	stream.indirect_vreg.gather [hbm4b:s6+s3], $0x80, v3, vm0, $0xb8;
	[tilespmem:$0x10400] =	vst v63  }
0x69: {  	s31 =	simm.s32 $0x60;
	s0 =	simm.s32 $0x0  }
0x6a: {  	[tilespmem:s8], [sflag:$0x3] =	stream.indirect_vreg.gather [hbm4b:s7+s3], $0x80, v3, vm0, $0xb8;
	[tilespmem:$0x10400] =	vst v63  }
.LBB2_2:
0x6b: {  	_ =	swait.ge [sflag:s12], $0x4000  }
0x6c: {  	p0 =	seq.s32 s0, $0x0;
	[sflag:s12] =	ssyncset.done $0x0  }
0x6d: {  	s2 =	sadd.s32 s0, s9;
	s10 =	simm.s32 @!p0 $0x8;
	[sflag:s12] =	ssyncadd.s32 $0xFFFFC000  }
0x6e: {  	[hbm4b:s2+s3] =	stream.linear.scatter [tilespmem:s13], [sflag:$0x5], $0x4000, $0x38;
	[tilespmem:$0x10400] =	vst v63  }
0x6f: {  	_ =	swait.ge @!p0 [sflag:s10], $0x4000  }
0x70: {  	[sflag:s10] =	ssyncset.done @!p0 $0x0  }
0x71: {  	[sflag:s10] =	ssyncadd.s32 @!p0 $0xFFFFC000  }
0x72: {  	v3 =	vld [tilespmem:s31+$0xFFFFFFD0];
	_ =	sdelay $0x4  }
0x73: {  	v4 =	vshll.u32 v3, $0x3  }
0x74: {  	v3 =	vand.u32 $0x7, v3;
	v4 =	vand.u32 $0xFFFFFFC0, v4  }
0x75: {  	v3 =	vor.u32 v3, v4  }
0x76: {  	v4 =	vperm.xlane v3, v0;
	_ =	sdelay $0x1  }
0x77: {  	v4 =	vadd.s32 v1, v4;
	_ =	sdelay $0x4  }
0x78: {  	[tilespmem:s14], [sflag:$0x4] =	stream.indirect_vreg.gather [hbm4b:s1+s3], $0x80, v4, vm0, $0xb8;
	[tilespmem:$0x10400] =	vst v63  }
0x79: {  	v3 =	vperm.xlane v3, v2  }
0x7a: {  	[tilespmem:s15], [sflag:$0x4] =	stream.indirect_vreg.gather [hbm4b:s5+s3], $0x80, v4, vm0, $0xb8;
	[tilespmem:$0x10400] =	vst v63  }
0x7b: {  	v3 =	vadd.s32 v1, v3  }
0x7c: {  	[tilespmem:s16], [sflag:$0x4] =	stream.indirect_vreg.gather [hbm4b:s6+s3], $0x80, v4, vm0, $0xb8;
	[tilespmem:$0x10400] =	vst v63  }
0x7d: {  	_ = 	snop  }
0x7e: {  	[tilespmem:s17], [sflag:$0x4] =	stream.indirect_vreg.gather [hbm4b:s7+s3], $0x80, v4, vm0, $0xb8;
	[tilespmem:$0x10400] =	vst v63  }
0x7f: {  	_ = 	snop  }
0x80: {  	[tilespmem:s18], [sflag:$0x4] =	stream.indirect_vreg.gather [hbm4b:s1+s3], $0x80, v3, vm0, $0xb8;
	[tilespmem:$0x10400] =	vst v63  }
0x81: {  	_ = 	snop  }
0x82: {  	[tilespmem:s19], [sflag:$0x4] =	stream.indirect_vreg.gather [hbm4b:s5+s3], $0x80, v3, vm0, $0xb8;
	[tilespmem:$0x10400] =	vst v63  }
0x83: {  	_ = 	snop  }
0x84: {  	[tilespmem:s20], [sflag:$0x4] =	stream.indirect_vreg.gather [hbm4b:s6+s3], $0x80, v3, vm0, $0xb8;
	[tilespmem:$0x10400] =	vst v63  }
0x85: {  	p0 =	seq.s32 s0, $0x1E000  }
0x86: {  	[tilespmem:s22], [sflag:$0x4] =	stream.indirect_vreg.gather [hbm4b:s7+s3], $0x80, v3, vm0, $0xb8;
	[tilespmem:$0x10400] =	vst v63  }
.Ltmp2:
0x87: {  	_ =	swait.ge [sflag:s23], $0x4000;
	(pc) =	sbr.rel @!p0 .LBB2_3-.Ltmp2, $4  }
0x88: {  	[sflag:s23] =	ssyncset.done $0x0  }
0x89: {  	s10 =	sadd.s32 $0x800, s2;
	[sflag:s23] =	ssyncadd.s32 $0xFFFFC000  }
0x8a: {  	[hbm4b:s10+s3] =	stream.linear.scatter [tilespmem:s21], [sflag:$0x6], $0x4000, $0x38;
	[tilespmem:$0x10400] =	vst v63  }
0x8b: {  	s10 =	sadd.s32 $0x1000, s2  }
.Ltmp3:
0x8c: {  	(pc) =	sbr.rel .LBB2_5-.Ltmp3, $4  }
0x8d: {  	_ =	swait.ge [sflag:s24], $0x4000  }
0x8e: {  	[sflag:s24] =	ssyncset.done $0x0  }
0x8f: {  	[sflag:s24] =	ssyncadd.s32 $0xFFFFC000  }
0x90: {  	[hbm4b:s10+s3] =	stream.linear.scatter [tilespmem:s30], [sflag:$0x7], $0x4000, $0x38;
	[tilespmem:$0x10400] =	vst v63  }
.LBB2_3:
0x91: {  	_ =	swait.ge [sflag:s26], $0x4000  }
0x92: {  	[sflag:s26] =	ssyncset.done $0x0  }
0x93: {  	[sflag:s26] =	ssyncadd.s32 $0xFFFFC000  }
0x94: {  	v3 =	vld [tilespmem:s31+$0xFFFFFFE0];
	_ =	sdelay $0x4  }
0x95: {  	v4 =	vshll.u32 v3, $0x3  }
0x96: {  	v3 =	vand.u32 $0x7, v3;
	v4 =	vand.u32 $0xFFFFFFC0, v4  }
0x97: {  	v3 =	vor.u32 v3, v4  }
0x98: {  	v4 =	vperm.xlane v3, v0;
	_ =	sdelay $0x1  }
0x99: {  	v4 =	vadd.s32 v1, v4;
	_ =	sdelay $0x4  }
0x9a: {  	[tilespmem:s13], [sflag:$0x1] =	stream.indirect_vreg.gather [hbm4b:s1+s3], $0x80, v4, vm0, $0xb8;
	[tilespmem:$0x10400] =	vst v63  }
0x9b: {  	s11 =	simm.s32 $0xC00;
	v3 =	vperm.xlane v3, v2  }
0x9c: {  	[tilespmem:s11], [sflag:$0x1] =	stream.indirect_vreg.gather [hbm4b:s5+s3], $0x80, v4, vm0, $0xb8;
	[tilespmem:$0x10400] =	vst v63  }
0x9d: {  	v3 =	vadd.s32 v1, v3;
	s11 =	simm.s32 $0x1400  }
0x9e: {  	[tilespmem:s11], [sflag:$0x1] =	stream.indirect_vreg.gather [hbm4b:s6+s3], $0x80, v4, vm0, $0xb8;
	[tilespmem:$0x10400] =	vst v63  }
0x9f: {  	s11 =	simm.s32 $0x1C00  }
0xa0: {  	[tilespmem:s11], [sflag:$0x1] =	stream.indirect_vreg.gather [hbm4b:s7+s3], $0x80, v4, vm0, $0xb8;
	[tilespmem:$0x10400] =	vst v63  }
0xa1: {  	s11 =	simm.s32 $0x2400  }
0xa2: {  	[tilespmem:s11], [sflag:$0x1] =	stream.indirect_vreg.gather [hbm4b:s1+s3], $0x80, v3, vm0, $0xb8;
	[tilespmem:$0x10400] =	vst v63  }
0xa3: {  	s11 =	simm.s32 $0x2C00  }
0xa4: {  	[tilespmem:s11], [sflag:$0x1] =	stream.indirect_vreg.gather [hbm4b:s5+s3], $0x80, v3, vm0, $0xb8;
	[tilespmem:$0x10400] =	vst v63  }
0xa5: {  	s11 =	simm.s32 $0x3400  }
0xa6: {  	[tilespmem:s11], [sflag:$0x1] =	stream.indirect_vreg.gather [hbm4b:s6+s3], $0x80, v3, vm0, $0xb8;
	[tilespmem:$0x10400] =	vst v63  }
0xa7: {  	s11 =	simm.s32 $0x3C00  }
0xa8: {  	[tilespmem:s11], [sflag:$0x1] =	stream.indirect_vreg.gather [hbm4b:s7+s3], $0x80, v3, vm0, $0xb8;
	[tilespmem:$0x10400] =	vst v63  }
0xa9: {  	_ =	swait.ge [sflag:s24], $0x4000  }
0xaa: {  	[sflag:s24] =	ssyncset.done $0x0  }
0xab: {  	[sflag:s24] =	ssyncadd.s32 $0xFFFFC000  }
0xac: {  	[hbm4b:s10+s3] =	stream.linear.scatter [tilespmem:s30], [sflag:$0x7], $0x4000, $0x38;
	[tilespmem:$0x10400] =	vst v63  }
0xad: {  	_ =	swait.ge [sflag:s28], $0x4000  }
0xae: {  	[sflag:s28] =	ssyncset.done $0x0  }
0xaf: {  	[sflag:s28] =	ssyncadd.s32 $0xFFFFC000  }
0xb0: {  	v3 =	vld [tilespmem:s31+$0xFFFFFFF0];
	_ =	sdelay $0x4  }
0xb1: {  	v63 =	vshll.u32 v3, $0x3  }
0xb2: {  	v3 =	vand.u32 $0x7, v3;
	v4 =	vand.u32 $0xFFFFFFC0, v63  }
0xb3: {  	v3 =	vor.u32 v3, v4  }
0xb4: {  	v4 =	vperm.xlane v3, v0;
	_ =	sdelay $0x1  }
0xb5: {  	v4 =	vadd.s32 v1, v4;
	_ =	sdelay $0x4  }
0xb6: {  	[tilespmem:s21], [sflag:$0x2] =	stream.indirect_vreg.gather [hbm4b:s1+s3], $0x80, v4, vm0, $0xb8;
	[tilespmem:$0x10400] =	vst v63  }
0xb7: {  	s10 =	simm.s32 $0x4C00;
	v3 =	vperm.xlane v3, v2  }
0xb8: {  	[tilespmem:s10], [sflag:$0x2] =	stream.indirect_vreg.gather [hbm4b:s5+s3], $0x80, v4, vm0, $0xb8;
	[tilespmem:$0x10400] =	vst v63  }
0xb9: {  	v3 =	vadd.s32 v1, v3;
	s10 =	simm.s32 $0x5400  }
0xba: {  	[tilespmem:s10], [sflag:$0x2] =	stream.indirect_vreg.gather [hbm4b:s6+s3], $0x80, v4, vm0, $0xb8;
	[tilespmem:$0x10400] =	vst v63  }
0xbb: {  	s10 =	simm.s32 $0x5C00  }
0xbc: {  	[tilespmem:s10], [sflag:$0x2] =	stream.indirect_vreg.gather [hbm4b:s7+s3], $0x80, v4, vm0, $0xb8;
	[tilespmem:$0x10400] =	vst v63  }
0xbd: {  	s10 =	simm.s32 $0x6400  }
0xbe: {  	[tilespmem:s10], [sflag:$0x2] =	stream.indirect_vreg.gather [hbm4b:s1+s3], $0x80, v3, vm0, $0xb8;
	[tilespmem:$0x10400] =	vst v63  }
0xbf: {  	s10 =	simm.s32 $0x6C00  }
0xc0: {  	[tilespmem:s10], [sflag:$0x2] =	stream.indirect_vreg.gather [hbm4b:s5+s3], $0x80, v3, vm0, $0xb8;
	[tilespmem:$0x10400] =	vst v63  }
0xc1: {  	s10 =	simm.s32 $0x7400  }
0xc2: {  	[tilespmem:s10], [sflag:$0x2] =	stream.indirect_vreg.gather [hbm4b:s6+s3], $0x80, v3, vm0, $0xb8;
	[tilespmem:$0x10400] =	vst v63  }
0xc3: {  	s11 =	simm.s32 $0x8C00;
	s10 =	simm.s32 $0x7C00  }
0xc4: {  	[tilespmem:s10], [sflag:$0x2] =	stream.indirect_vreg.gather [hbm4b:s7+s3], $0x80, v3, vm0, $0xb8;
	[tilespmem:$0x10400] =	vst v63  }
.LBB2_5:
.Ltmp4:
0xc5: {  	(pc) =	sbr.rel @p0 .LBB2_7-.Ltmp4, $4  }
0xc6: {  	_ =	swait.ge [sflag:s25], $0x4000  }
0xc7: {  	[sflag:s25] =	ssyncset.done $0x0  }
0xc8: {  	s2 =	sadd.s32 $0x1800, s2;
	[sflag:s25] =	ssyncadd.s32 $0xFFFFC000  }
0xc9: {  	[hbm4b:s2+s3] =	stream.linear.scatter [tilespmem:s14], [sflag:$0x8], $0x4000, $0x38;
	[tilespmem:$0x10400] =	vst v63  }
0xca: {  	_ =	swait.ge [sflag:s29], $0x4000  }
0xcb: {  	[sflag:s29] =	ssyncset.done $0x0  }
0xcc: {  	[sflag:s29] =	ssyncadd.s32 $0xFFFFC000  }
0xcd: {  	v3 =	vld [tilespmem:s31+$0x0];
	_ =	sdelay $0x4  }
0xce: {  	v4 =	vshll.u32 v3, $0x3  }
0xcf: {  	v3 =	vand.u32 $0x7, v3;
	v4 =	vand.u32 $0xFFFFFFC0, v4  }
0xd0: {  	v3 =	vor.u32 v3, v4  }
0xd1: {  	v4 =	vperm.xlane v3, v0;
	_ =	sdelay $0x1  }
0xd2: {  	v4 =	vadd.s32 v1, v4;
	_ =	sdelay $0x4  }
0xd3: {  	[tilespmem:s30], [sflag:$0x3] =	stream.indirect_vreg.gather [hbm4b:s1+s3], $0x80, v4, vm0, $0xb8;
	[tilespmem:$0x10400] =	vst v63  }
0xd4: {  	v3 =	vperm.xlane v3, v2  }
0xd5: {  	[tilespmem:s11], [sflag:$0x3] =	stream.indirect_vreg.gather [hbm4b:s5+s3], $0x80, v4, vm0, $0xb8;
	[tilespmem:$0x10400] =	vst v63  }
0xd6: {  	s2 =	simm.s32 $0x9400;
	v3 =	vadd.s32 v1, v3  }
0xd7: {  	[tilespmem:s2], [sflag:$0x3] =	stream.indirect_vreg.gather [hbm4b:s6+s3], $0x80, v4, vm0, $0xb8;
	[tilespmem:$0x10400] =	vst v63  }
0xd8: {  	s10 =	simm.s32 $0x9C00  }
0xd9: {  	[tilespmem:s10], [sflag:$0x3] =	stream.indirect_vreg.gather [hbm4b:s7+s3], $0x80, v4, vm0, $0xb8;
	[tilespmem:$0x10400] =	vst v63  }
0xda: {  	s10 =	simm.s32 $0xA400  }
0xdb: {  	[tilespmem:s10], [sflag:$0x3] =	stream.indirect_vreg.gather [hbm4b:s1+s3], $0x80, v3, vm0, $0xb8;
	[tilespmem:$0x10400] =	vst v63  }
0xdc: {  	s10 =	simm.s32 $0xAC00  }
0xdd: {  	[tilespmem:s10], [sflag:$0x3] =	stream.indirect_vreg.gather [hbm4b:s5+s3], $0x80, v3, vm0, $0xb8;
	[tilespmem:$0x10400] =	vst v63  }
.Ltmp5:
0xde: {  	_ = 	snop;
	(pc) =	sbr.rel .LBB2_2-.Ltmp5, $4  }
0xdf: {  	_ = 	snop  }
0xe0: {  	[tilespmem:s4], [sflag:$0x3] =	stream.indirect_vreg.gather [hbm4b:s6+s3], $0x80, v3, vm0, $0xb8;
	[tilespmem:$0x10400] =	vst v63  }
0xe1: {  	s0 =	sadd.s32 $0x2000, s0;
	s31 =	sadd.s32 $0x40, s31  }
0xe2: {  	[tilespmem:s8], [sflag:$0x3] =	stream.indirect_vreg.gather [hbm4b:s7+s3], $0x80, v3, vm0, $0xb8;
	[tilespmem:$0x10400] =	vst v63  }
.LBB2_8:
0xe3: {  	_ =	sfence.sel $0x180000  }
0xe4: {  	[bflag:$0x0] =	sbarrier.arrive $0xFFFF  }
0xe5: {  	_ =	strace $0x90000047  }
0xe6: {  	s0 =	stileid.u32;
	[bflag:$0x2] =	sbarrier.arrive $0xFFFF  }
0xe7: {  	p0 =	sne.s32 s0, $0x0;
	s0 =	rddreg [dreg:$0x3]  }
0xe8: {  	s0 =	sadd.s32 @!p0 $0x100000, s0  }
0xe9: {  	[sflag:s0] =	ssyncadd.tile.s32 @!p0 $0x1;
	_ =	shalt  }
.Lfunc_end2:
_tile_overlayer_lowered:
.L_overlay_start_2:
0xea: {  	(tag) =	ssettag $0x2  }
0xeb: {  	s0 =	rddreg [dreg:$0x0];
	s2 =	stileid.u32  }
0xec: {  	s1 =	rddreg [dreg:$0x1];
	p0 =	sne.s32 s2, $0x0  }
0xed: {  	s3 =	rddreg [dreg:$0x2];
	[bflag:$0x3] =	sbarrier.arrive $0xFFFF;
	s2 =	simm.s32 @!p0 $0x1C09  }
0xee: {  	[timem:s3], [sflag:s2] =	dma.local @!p0 [hbm:s0], s1  }
0xef: {  	s0 =	simm.s32 @!p0 $0x9  }
0xf0: {  	_ =	swait.ge @!p0 [sflag:s0], s1  }
0xf1: {  	s1 =	ssub.s32 @!p0 $0x0, s1;
	[sflag:s0] =	ssyncset.done @!p0 $0x0  }
0xf2: {  	[sflag:s0] =	ssyncadd.s32 @!p0 s1  }
0xf3: {  	[bflag:$0x3] =	sbarrier.arrive $0xFFFF  }
0xf4: {  	_ =	shalt  }

</sc_bundles>
